<compile_context>
chip_gen: v7x
topology: tpu7x:2x2x1
jax: 0.10.2.dev20260603
libtpu: 0.0.44.dev20260713+nightly
codegen_flags: <defaults>
</compile_context>

<pallas_src>
import functools

import jax
import jax.numpy as jnp
from jax import lax
from jax.experimental import pallas as pl
from jax.experimental.pallas import tpu as pltpu
from jax.experimental.pallas import tpu_sc as plsc

B = 16384
D = 128
H1 = 256
H2 = 64

NC = 2
NS = 16
NW = NC * NS

CH = 256


@functools.cache
def _make_gather(nb):
    bpw = nb // NW
    ch = min(CH, bpw)
    nt = (2 * bpw) // ch
    mesh = plsc.VectorSubcoreMesh(core_axis_name="c", subcore_axis_name="s")

    @functools.partial(
        pl.kernel,
        mesh=mesh,
        out_type=[
            jax.ShapeDtypeStruct((nb, D), jnp.float32),
            jax.ShapeDtypeStruct((nb, D), jnp.float32),
        ],
        scratch_types=[
            pltpu.VMEM((bpw,), jnp.int32),
            pltpu.VMEM((bpw,), jnp.int32),
            pltpu.VMEM((ch, D), jnp.float32),
            pltpu.VMEM((ch, D), jnp.float32),
            pltpu.SemaphoreType.DMA,
            pltpu.SemaphoreType.DMA,
            pltpu.SemaphoreType.DMA,
            pltpu.SemaphoreType.DMA,
        ],
    )
    def _gather_sc(uid_hbm, mid_hbm, ut_hbm, mt_hbm, eu_hbm, ev_hbm,
                   uidx_v, midx_v, bufa, bufb, sg0, sg1, sw0, sw1):
        wid = lax.axis_index("s") * NC + lax.axis_index("c")
        base = wid * bpw
        pltpu.sync_copy(uid_hbm.at[pl.ds(base, bpw)], uidx_v)
        pltpu.sync_copy(mid_hbm.at[pl.ds(base, bpw)], midx_v)
        bufs = (bufa, bufb)
        sgs = (sg0, sg1)
        sws = (sw0, sw1)
        tasks = []
        for idx_v, tab, out in ((uidx_v, ut_hbm, eu_hbm),
                                (midx_v, mt_hbm, ev_hbm)):
            for c in range(bpw // ch):
                tasks.append((idx_v, tab, out, c * ch))

        def issue_gather(k):
            idx_v, tab, _, off = tasks[k]
            b = k % 2
            return pltpu.async_copy(
                tab.at[idx_v.at[pl.ds(off, ch)]], bufs[b], sgs[b])

        gcp = [None] * nt
        wcp = [None] * nt
        gcp[0] = issue_gather(0)
        for k in range(nt):
            b = k % 2
            if k + 1 < nt:
                if k >= 1:
                    wcp[k - 1].wait()
                gcp[k + 1] = issue_gather(k + 1)
            gcp[k].wait()
            _, _, out, off = tasks[k]
            wcp[k] = pltpu.async_copy(
                bufs[b], out.at[pl.ds(base + off, ch)], sws[b])
        if nt >= 2:
            wcp[nt - 2].wait()
        wcp[nt - 1].wait()

    return _gather_sc


BLK = 4096


def _mlp_body(eu_ref, ev_ref, w1a_ref, w1b_ref, b1_ref, w2_ref, b2_ref,
              w3t_ref, b3_ref, o_ref):
    bf = jnp.bfloat16
    h = jnp.dot(eu_ref[...].astype(bf), w1a_ref[...].astype(bf),
                preferred_element_type=jnp.float32)
    h = h + jnp.dot(ev_ref[...].astype(bf), w1b_ref[...].astype(bf),
                    preferred_element_type=jnp.float32)
    h = jnp.maximum(h + b1_ref[...], 0.0)
    h = jnp.dot(h.astype(bf), w2_ref[...].astype(bf),
                preferred_element_type=jnp.float32)
    h = jnp.maximum(h + b2_ref[...], 0.0)
    o_ref[...] = jnp.dot(h, w3t_ref[...], preferred_element_type=jnp.float32) + b3_ref[...]


def _mlp(eu, ev, w1a, w1b, b1, w2, b2, w3t, b3):
    nb = eu.shape[0]
    blk = min(BLK, nb)
    grid = (nb // blk,)
    full = lambda i: (0, 0)
    return pl.pallas_call(
        _mlp_body,
        grid=grid,
        in_specs=[
            pl.BlockSpec((blk, D), lambda i: (i, 0)),
            pl.BlockSpec((blk, D), lambda i: (i, 0)),
            pl.BlockSpec((D, H1), full),
            pl.BlockSpec((D, H1), full),
            pl.BlockSpec((1, H1), full),
            pl.BlockSpec((H1, H2), full),
            pl.BlockSpec((1, H2), full),
            pl.BlockSpec((H2, 1), full),
            pl.BlockSpec((1, 1), full),
        ],
        out_specs=pl.BlockSpec((blk, 1), lambda i: (i, 0)),
        out_shape=jax.ShapeDtypeStruct((nb, 1), jnp.float32),
    )(eu, ev, w1a, w1b, b1, w2, b2, w3t, b3)


NCHUNK = 2


def kernel(user_id, movie_id, user_table, movie_table, W1, b1, W2, b2, W3, b3):
    uid = user_id.astype(jnp.int32)
    mid = movie_id.astype(jnp.int32)
    w1a, w1b = W1[:D], W1[D:]
    w3t = W3
    b1r, b2r, b3r = b1.reshape(1, H1), b2.reshape(1, H2), b3.reshape(1, 1)
    nb = B // NCHUNK
    gather = _make_gather(nb)
    outs = []
    embs = [gather(uid[i * nb:(i + 1) * nb], mid[i * nb:(i + 1) * nb],
                   user_table, movie_table) for i in range(NCHUNK)]
    for eu, ev in embs:
        outs.append(_mlp(eu, ev, w1a, w1b, b1r, W2, b2r, w3t, b3r))
    return jnp.concatenate(outs, axis=0)

# --- scband reference (transcript-rebuilt; emitter-appended) ---
"""Pipeline reference for scband-embedding-model-30863634989562 (READ-ONLY COPY).

The authoritative reference and input builder live on the scoring server;
editing this copy changes nothing except your own understanding.
"""

import jax, jax.numpy as jnp
import numpy as np

B = 16384
V_USER = 100000
V_MOVIE = 100000
D = 128

def setup_inputs(seed: int = 0) -> dict:
    key = jax.random.key(seed)
    ks = jax.random.split(key, 10)
    user_id = jax.random.randint(ks[0], (B,), 0, V_USER)
    movie_id = jax.random.randint(ks[1], (B,), 0, V_MOVIE)
    user_table = jax.random.normal(ks[2], (V_USER, D), dtype=jnp.float32) * 0.05
    movie_table = jax.random.normal(ks[3], (V_MOVIE, D), dtype=jnp.float32) * 0.05
    W1 = jax.random.normal(ks[4], (2 * D, 256), dtype=jnp.float32) * (1.0 / np.sqrt(2 * D))
    b1 = jnp.zeros((256,), dtype=jnp.float32)
    W2 = jax.random.normal(ks[5], (256, 64), dtype=jnp.float32) * (1.0 / np.sqrt(256))
    b2 = jnp.zeros((64,), dtype=jnp.float32)
    W3 = jax.random.normal(ks[6], (64, 1), dtype=jnp.float32) * (1.0 / np.sqrt(64))
    b3 = jnp.zeros((1,), dtype=jnp.float32)
    return {
        "user_id": user_id,
        "movie_id": movie_id,
        "user_table": user_table,
        "movie_table": movie_table,
        "W1": W1, "b1": b1,
        "W2": W2, "b2": b2,
        "W3": W3, "b3": b3,
    }

def reference(user_id, movie_id, user_table, movie_table, W1, b1, W2, b2, W3, b3):
    # DistributedEmbedding lookup: per-feature gather from its table
    emb_user = jnp.take(user_table, user_id, axis=0)    # [B, D]
    emb_movie = jnp.take(movie_table, movie_id, axis=0)  # [B, D]
    # concat along feature axis, then ratings MLP (Dense 256 relu -> Dense 64 relu -> Dense 1)
    h = jnp.concatenate([emb_user, emb_movie], axis=1)   # [B, 2D]
    h = jax.nn.relu(h @ W1 + b1)
    h = jax.nn.relu(h @ W2 + b2)
    out = h @ W3 + b3                                     # [B, 1]
    return out

if __name__ == "__main__":
    import jax
    _d = setup_inputs()
    print(jax.jit(kernel)(*tuple(_d.values())))

</pallas_src>

<mosaic_0001>
#map = affine_map<(d0, d1) -> (0)>
#map1 = affine_map<(d0, d1) -> (0, 0)>
module attributes {stable_mosaic.version = 14 : i64} {
  func.func @_gather_sc(%arg0: i32, %arg1: i32, %arg2: memref<8192xi32, #tpu.memory_space<hbm>>, %arg3: memref<8192xi32, #tpu.memory_space<hbm>>, %arg4: memref<100000x128xf32, #tpu.memory_space<hbm>>, %arg5: memref<100000x128xf32, #tpu.memory_space<hbm>>, %arg6: memref<8192x128xf32, #tpu.memory_space<hbm>>, %arg7: memref<8192x128xf32, #tpu.memory_space<hbm>>, %arg8: memref<256xi32, #tpu.memory_space<vmem>>, %arg9: memref<256xi32, #tpu.memory_space<vmem>>, %arg10: memref<256x128xf32, #tpu.memory_space<vmem>>, %arg11: memref<256x128xf32, #tpu.memory_space<vmem>>, %arg12: memref<!tpu.dma_semaphore, #tpu.memory_space<semaphore_mem>>, %arg13: memref<!tpu.dma_semaphore, #tpu.memory_space<semaphore_mem>>, %arg14: memref<!tpu.dma_semaphore, #tpu.memory_space<semaphore_mem>>, %arg15: memref<!tpu.dma_semaphore, #tpu.memory_space<semaphore_mem>>) attributes {dimension_semantics = [#tpu.dimension_semantics<core_parallel>, #tpu.dimension_semantics<subcore_parallel>], iteration_bounds = array<i64: 2, 16>, scalar_prefetch = 0 : i64, scratch_operands = 8 : i64, tpu.core_type = #tpu.core_type<sc_vector_subcore>, window_params = [{transform_indices = #map}, {transform_indices = #map}, {transform_indices = #map1}, {transform_indices = #map1}, {transform_indices = #map1}, {transform_indices = #map1}]} {
    %mul3A = arith.constant 2 : i32
    %mul3A_0 = arith.muli %arg1, %mul3A : i32
    %add3A = arith.addi %mul3A_0, %arg0 : i32
    %mul3A_1 = arith.constant 256 : i32
    %mul3A_2 = arith.muli %add3A, %mul3A_1 : i32
    "tpu.region"() ({
      %run_scoped3A = tpu.sem_alloc : memref<!tpu.dma_semaphore, #tpu.memory_space<semaphore_mem>>
      %dma_start3A_41 = tpu.memref_slice %arg2[%mul3A_2] : memref<8192xi32, #tpu.memory_space<hbm>> -> memref<256xi32, #tpu.memory_space<hbm>>
      %dma_start3A_42 = tpu.memref_slice %arg2[%mul3A_2] : memref<8192xi32, #tpu.memory_space<hbm>> -> memref<256xi32, #tpu.memory_space<hbm>>
      tpu.enqueue_dma source(%dma_start3A_42 : memref<256xi32, #tpu.memory_space<hbm>>) target(%arg8 : memref<256xi32, #tpu.memory_space<vmem>>) target_semaphore(%run_scoped3A : memref<!tpu.dma_semaphore, #tpu.memory_space<semaphore_mem>>)
      %dma_wait3A_43 = tpu.memref_slice %arg2[%mul3A_2] : memref<8192xi32, #tpu.memory_space<hbm>> -> memref<256xi32, #tpu.memory_space<hbm>>
      %dma_wait3A_44 = tpu.memref_slice %arg2[%mul3A_2] : memref<8192xi32, #tpu.memory_space<hbm>> -> memref<256xi32, #tpu.memory_space<hbm>>
      tpu.wait_dma2 semaphore(%run_scoped3A : memref<!tpu.dma_semaphore, #tpu.memory_space<semaphore_mem>>) src(%dma_wait3A_44 : memref<256xi32, #tpu.memory_space<hbm>>) dst(%arg8 : memref<256xi32, #tpu.memory_space<vmem>>)
      tpu.yield
    }) : () -> ()
    "tpu.region"() ({
      %run_scoped3A = tpu.sem_alloc : memref<!tpu.dma_semaphore, #tpu.memory_space<semaphore_mem>>
      %dma_start3A_41 = tpu.memref_slice %arg3[%mul3A_2] : memref<8192xi32, #tpu.memory_space<hbm>> -> memref<256xi32, #tpu.memory_space<hbm>>
      %dma_start3A_42 = tpu.memref_slice %arg3[%mul3A_2] : memref<8192xi32, #tpu.memory_space<hbm>> -> memref<256xi32, #tpu.memory_space<hbm>>
      tpu.enqueue_dma source(%dma_start3A_42 : memref<256xi32, #tpu.memory_space<hbm>>) target(%arg9 : memref<256xi32, #tpu.memory_space<vmem>>) target_semaphore(%run_scoped3A : memref<!tpu.dma_semaphore, #tpu.memory_space<semaphore_mem>>)
      %dma_wait3A_43 = tpu.memref_slice %arg3[%mul3A_2] : memref<8192xi32, #tpu.memory_space<hbm>> -> memref<256xi32, #tpu.memory_space<hbm>>
      %dma_wait3A_44 = tpu.memref_slice %arg3[%mul3A_2] : memref<8192xi32, #tpu.memory_space<hbm>> -> memref<256xi32, #tpu.memory_space<hbm>>
      tpu.wait_dma2 semaphore(%run_scoped3A : memref<!tpu.dma_semaphore, #tpu.memory_space<semaphore_mem>>) src(%dma_wait3A_44 : memref<256xi32, #tpu.memory_space<hbm>>) dst(%arg9 : memref<256xi32, #tpu.memory_space<vmem>>)
      tpu.yield
    }) : () -> ()
    %dma_start3A = arith.constant 0 : i32
    %dma_start3A_3 = tpu.memref_slice %arg8[%dma_start3A] : memref<256xi32, #tpu.memory_space<vmem>> -> memref<256xi32, #tpu.memory_space<vmem>>
    %dma_start3A_4 = arith.constant 0 : i32
    %dma_start3A_5 = arith.constant 0 : i32
    %dma_start3A_6 = tpu.memref_slice %arg4[%dma_start3A_4, %dma_start3A_5] : memref<100000x128xf32, #tpu.memory_space<hbm>> -> memref<100000x128xf32, #tpu.memory_space<hbm>>
    tpu.enqueue_indirect_dma source(%dma_start3A_6 : memref<100000x128xf32, #tpu.memory_space<hbm>>) target(%arg10 : memref<256x128xf32, #tpu.memory_space<vmem>>) offsets(%dma_start3A_3 : memref<256xi32, #tpu.memory_space<vmem>>) semaphore(%arg12 : memref<!tpu.dma_semaphore, #tpu.memory_space<semaphore_mem>>)
    %dma_start3A_7 = arith.constant 0 : i32
    %dma_start3A_8 = tpu.memref_slice %arg9[%dma_start3A_7] : memref<256xi32, #tpu.memory_space<vmem>> -> memref<256xi32, #tpu.memory_space<vmem>>
    %dma_start3A_9 = arith.constant 0 : i32
    %dma_start3A_10 = arith.constant 0 : i32
    %dma_start3A_11 = tpu.memref_slice %arg5[%dma_start3A_9, %dma_start3A_10] : memref<100000x128xf32, #tpu.memory_space<hbm>> -> memref<100000x128xf32, #tpu.memory_space<hbm>>
    tpu.enqueue_indirect_dma source(%dma_start3A_11 : memref<100000x128xf32, #tpu.memory_space<hbm>>) target(%arg11 : memref<256x128xf32, #tpu.memory_space<vmem>>) offsets(%dma_start3A_8 : memref<256xi32, #tpu.memory_space<vmem>>) semaphore(%arg13 : memref<!tpu.dma_semaphore, #tpu.memory_space<semaphore_mem>>)
    %dma_wait3A = arith.constant 0 : i32
    %dma_wait3A_12 = tpu.memref_slice %arg8[%dma_wait3A] : memref<256xi32, #tpu.memory_space<vmem>> -> memref<256xi32, #tpu.memory_space<vmem>>
    %dma_wait3A_13 = arith.constant 0 : i32
    %dma_wait3A_14 = arith.constant 0 : i32
    %dma_wait3A_15 = tpu.memref_slice %arg4[%dma_wait3A_13, %dma_wait3A_14] : memref<100000x128xf32, #tpu.memory_space<hbm>> -> memref<100000x128xf32, #tpu.memory_space<hbm>>
    tpu.wait_indirect_dma semaphore(%arg12 : memref<!tpu.dma_semaphore, #tpu.memory_space<semaphore_mem>>) src(%dma_wait3A_15 : memref<100000x128xf32, #tpu.memory_space<hbm>>) dst(%arg10 : memref<256x128xf32, #tpu.memory_space<vmem>>)
    %add3A_16 = arith.constant 0 : i32
    %add3A_17 = arith.addi %mul3A_2, %add3A_16 : i32
    %dma_start3A_18 = arith.constant 0 : i32
    %dma_start3A_19 = tpu.memref_slice %arg6[%add3A_17, %dma_start3A_18] : memref<8192x128xf32, #tpu.memory_space<hbm>> -> memref<256x128xf32, #tpu.memory_space<hbm>>
    %dma_start3A_20 = arith.constant 0 : i32
    %dma_start3A_21 = tpu.memref_slice %arg6[%add3A_17, %dma_start3A_20] : memref<8192x128xf32, #tpu.memory_space<hbm>> -> memref<256x128xf32, #tpu.memory_space<hbm>>
    tpu.enqueue_dma source(%arg10 : memref<256x128xf32, #tpu.memory_space<vmem>>) target(%dma_start3A_21 : memref<256x128xf32, #tpu.memory_space<hbm>>) target_semaphore(%arg14 : memref<!tpu.dma_semaphore, #tpu.memory_space<semaphore_mem>>)
    %dma_wait3A_22 = arith.constant 0 : i32
    %dma_wait3A_23 = tpu.memref_slice %arg9[%dma_wait3A_22] : memref<256xi32, #tpu.memory_space<vmem>> -> memref<256xi32, #tpu.memory_space<vmem>>
    %dma_wait3A_24 = arith.constant 0 : i32
    %dma_wait3A_25 = arith.constant 0 : i32
    %dma_wait3A_26 = tpu.memref_slice %arg5[%dma_wait3A_24, %dma_wait3A_25] : memref<100000x128xf32, #tpu.memory_space<hbm>> -> memref<100000x128xf32, #tpu.memory_space<hbm>>
    tpu.wait_indirect_dma semaphore(%arg13 : memref<!tpu.dma_semaphore, #tpu.memory_space<semaphore_mem>>) src(%dma_wait3A_26 : memref<100000x128xf32, #tpu.memory_space<hbm>>) dst(%arg11 : memref<256x128xf32, #tpu.memory_space<vmem>>)
    %add3A_27 = arith.constant 0 : i32
    %add3A_28 = arith.addi %mul3A_2, %add3A_27 : i32
    %dma_start3A_29 = arith.constant 0 : i32
    %dma_start3A_30 = tpu.memref_slice %arg7[%add3A_28, %dma_start3A_29] : memref<8192x128xf32, #tpu.memory_space<hbm>> -> memref<256x128xf32, #tpu.memory_space<hbm>>
    %dma_start3A_31 = arith.constant 0 : i32
    %dma_start3A_32 = tpu.memref_slice %arg7[%add3A_28, %dma_start3A_31] : memref<8192x128xf32, #tpu.memory_space<hbm>> -> memref<256x128xf32, #tpu.memory_space<hbm>>
    tpu.enqueue_dma source(%arg11 : memref<256x128xf32, #tpu.memory_space<vmem>>) target(%dma_start3A_32 : memref<256x128xf32, #tpu.memory_space<hbm>>) target_semaphore(%arg15 : memref<!tpu.dma_semaphore, #tpu.memory_space<semaphore_mem>>)
    %dma_wait3A_33 = arith.constant 0 : i32
    %dma_wait3A_34 = tpu.memref_slice %arg6[%add3A_17, %dma_wait3A_33] : memref<8192x128xf32, #tpu.memory_space<hbm>> -> memref<256x128xf32, #tpu.memory_space<hbm>>
    %dma_wait3A_35 = arith.constant 0 : i32
    %dma_wait3A_36 = tpu.memref_slice %arg6[%add3A_17, %dma_wait3A_35] : memref<8192x128xf32, #tpu.memory_space<hbm>> -> memref<256x128xf32, #tpu.memory_space<hbm>>
    tpu.wait_dma2 semaphore(%arg14 : memref<!tpu.dma_semaphore, #tpu.memory_space<semaphore_mem>>) src(%arg10 : memref<256x128xf32, #tpu.memory_space<vmem>>) dst(%dma_wait3A_36 : memref<256x128xf32, #tpu.memory_space<hbm>>)
    %dma_wait3A_37 = arith.constant 0 : i32
    %dma_wait3A_38 = tpu.memref_slice %arg7[%add3A_28, %dma_wait3A_37] : memref<8192x128xf32, #tpu.memory_space<hbm>> -> memref<256x128xf32, #tpu.memory_space<hbm>>
    %dma_wait3A_39 = arith.constant 0 : i32
    %dma_wait3A_40 = tpu.memref_slice %arg7[%add3A_28, %dma_wait3A_39] : memref<8192x128xf32, #tpu.memory_space<hbm>> -> memref<256x128xf32, #tpu.memory_space<hbm>>
    tpu.wait_dma2 semaphore(%arg15 : memref<!tpu.dma_semaphore, #tpu.memory_space<semaphore_mem>>) src(%arg11 : memref<256x128xf32, #tpu.memory_space<vmem>>) dst(%dma_wait3A_40 : memref<256x128xf32, #tpu.memory_space<hbm>>)
    return
  }
}

#map = affine_map<(d0, d1) -> (0)>
#map1 = affine_map<(d0, d1) -> (0, 0)>
module attributes {stable_mosaic.version = 14 : i64} {
  func.func @_gather_sc(%arg0: i32, %arg1: i32, %arg2: memref<8192xi32, #tpu.memory_space<hbm>>, %arg3: memref<8192xi32, #tpu.memory_space<hbm>>, %arg4: memref<100000x128xf32, #tpu.memory_space<hbm>>, %arg5: memref<100000x128xf32, #tpu.memory_space<hbm>>, %arg6: memref<8192x128xf32, #tpu.memory_space<hbm>>, %arg7: memref<8192x128xf32, #tpu.memory_space<hbm>>, %arg8: memref<256xi32, #tpu.memory_space<vmem>>, %arg9: memref<256xi32, #tpu.memory_space<vmem>>, %arg10: memref<256x128xf32, #tpu.memory_space<vmem>>, %arg11: memref<256x128xf32, #tpu.memory_space<vmem>>, %arg12: memref<!tpu.dma_semaphore, #tpu.memory_space<semaphore_mem>>, %arg13: memref<!tpu.dma_semaphore, #tpu.memory_space<semaphore_mem>>, %arg14: memref<!tpu.dma_semaphore, #tpu.memory_space<semaphore_mem>>, %arg15: memref<!tpu.dma_semaphore, #tpu.memory_space<semaphore_mem>>) attributes {dimension_semantics = [#tpu.dimension_semantics<core_parallel>, #tpu.dimension_semantics<subcore_parallel>], iteration_bounds = array<i64: 2, 16>, scalar_prefetch = 0 : i64, scratch_operands = 8 : i64, tpu.core_type = #tpu.core_type<sc_vector_subcore>, window_params = [{transform_indices = #map}, {transform_indices = #map}, {transform_indices = #map1}, {transform_indices = #map1}, {transform_indices = #map1}, {transform_indices = #map1}]} {
    %mul3A = arith.constant 2 : i32
    %mul3A_0 = arith.muli %arg1, %mul3A : i32
    %add3A = arith.addi %mul3A_0, %arg0 : i32
    %mul3A_1 = arith.constant 256 : i32
    %mul3A_2 = arith.muli %add3A, %mul3A_1 : i32
    "tpu.region"() ({
      %run_scoped3A = tpu.sem_alloc : memref<!tpu.dma_semaphore, #tpu.memory_space<semaphore_mem>>
      %dma_start3A_41 = tpu.memref_slice %arg2[%mul3A_2] : memref<8192xi32, #tpu.memory_space<hbm>> -> memref<256xi32, #tpu.memory_space<hbm>>
      %dma_start3A_42 = tpu.memref_slice %arg2[%mul3A_2] : memref<8192xi32, #tpu.memory_space<hbm>> -> memref<256xi32, #tpu.memory_space<hbm>>
      tpu.enqueue_dma source(%dma_start3A_42 : memref<256xi32, #tpu.memory_space<hbm>>) target(%arg8 : memref<256xi32, #tpu.memory_space<vmem>>) target_semaphore(%run_scoped3A : memref<!tpu.dma_semaphore, #tpu.memory_space<semaphore_mem>>)
      %dma_wait3A_43 = tpu.memref_slice %arg2[%mul3A_2] : memref<8192xi32, #tpu.memory_space<hbm>> -> memref<256xi32, #tpu.memory_space<hbm>>
      %dma_wait3A_44 = tpu.memref_slice %arg2[%mul3A_2] : memref<8192xi32, #tpu.memory_space<hbm>> -> memref<256xi32, #tpu.memory_space<hbm>>
      tpu.wait_dma2 semaphore(%run_scoped3A : memref<!tpu.dma_semaphore, #tpu.memory_space<semaphore_mem>>) src(%dma_wait3A_44 : memref<256xi32, #tpu.memory_space<hbm>>) dst(%arg8 : memref<256xi32, #tpu.memory_space<vmem>>)
      tpu.yield
    }) : () -> ()
    "tpu.region"() ({
      %run_scoped3A = tpu.sem_alloc : memref<!tpu.dma_semaphore, #tpu.memory_space<semaphore_mem>>
      %dma_start3A_41 = tpu.memref_slice %arg3[%mul3A_2] : memref<8192xi32, #tpu.memory_space<hbm>> -> memref<256xi32, #tpu.memory_space<hbm>>
      %dma_start3A_42 = tpu.memref_slice %arg3[%mul3A_2] : memref<8192xi32, #tpu.memory_space<hbm>> -> memref<256xi32, #tpu.memory_space<hbm>>
      tpu.enqueue_dma source(%dma_start3A_42 : memref<256xi32, #tpu.memory_space<hbm>>) target(%arg9 : memref<256xi32, #tpu.memory_space<vmem>>) target_semaphore(%run_scoped3A : memref<!tpu.dma_semaphore, #tpu.memory_space<semaphore_mem>>)
      %dma_wait3A_43 = tpu.memref_slice %arg3[%mul3A_2] : memref<8192xi32, #tpu.memory_space<hbm>> -> memref<256xi32, #tpu.memory_space<hbm>>
      %dma_wait3A_44 = tpu.memref_slice %arg3[%mul3A_2] : memref<8192xi32, #tpu.memory_space<hbm>> -> memref<256xi32, #tpu.memory_space<hbm>>
      tpu.wait_dma2 semaphore(%run_scoped3A : memref<!tpu.dma_semaphore, #tpu.memory_space<semaphore_mem>>) src(%dma_wait3A_44 : memref<256xi32, #tpu.memory_space<hbm>>) dst(%arg9 : memref<256xi32, #tpu.memory_space<vmem>>)
      tpu.yield
    }) : () -> ()
    %dma_start3A = arith.constant 0 : i32
    %dma_start3A_3 = tpu.memref_slice %arg8[%dma_start3A] : memref<256xi32, #tpu.memory_space<vmem>> -> memref<256xi32, #tpu.memory_space<vmem>>
    %dma_start3A_4 = arith.constant 0 : i32
    %dma_start3A_5 = arith.constant 0 : i32
    %dma_start3A_6 = tpu.memref_slice %arg4[%dma_start3A_4, %dma_start3A_5] : memref<100000x128xf32, #tpu.memory_space<hbm>> -> memref<100000x128xf32, #tpu.memory_space<hbm>>
    tpu.enqueue_indirect_dma source(%dma_start3A_6 : memref<100000x128xf32, #tpu.memory_space<hbm>>) target(%arg10 : memref<256x128xf32, #tpu.memory_space<vmem>>) offsets(%dma_start3A_3 : memref<256xi32, #tpu.memory_space<vmem>>) semaphore(%arg12 : memref<!tpu.dma_semaphore, #tpu.memory_space<semaphore_mem>>)
    %dma_start3A_7 = arith.constant 0 : i32
    %dma_start3A_8 = tpu.memref_slice %arg9[%dma_start3A_7] : memref<256xi32, #tpu.memory_space<vmem>> -> memref<256xi32, #tpu.memory_space<vmem>>
    %dma_start3A_9 = arith.constant 0 : i32
    %dma_start3A_10 = arith.constant 0 : i32
    %dma_start3A_11 = tpu.memref_slice %arg5[%dma_start3A_9, %dma_start3A_10] : memref<100000x128xf32, #tpu.memory_space<hbm>> -> memref<100000x128xf32, #tpu.memory_space<hbm>>
    tpu.enqueue_indirect_dma source(%dma_start3A_11 : memref<100000x128xf32, #tpu.memory_space<hbm>>) target(%arg11 : memref<256x128xf32, #tpu.memory_space<vmem>>) offsets(%dma_start3A_8 : memref<256xi32, #tpu.memory_space<vmem>>) semaphore(%arg13 : memref<!tpu.dma_semaphore, #tpu.memory_space<semaphore_mem>>)
    %dma_wait3A = arith.constant 0 : i32
    %dma_wait3A_12 = tpu.memref_slice %arg8[%dma_wait3A] : memref<256xi32, #tpu.memory_space<vmem>> -> memref<256xi32, #tpu.memory_space<vmem>>
    %dma_wait3A_13 = arith.constant 0 : i32
    %dma_wait3A_14 = arith.constant 0 : i32
    %dma_wait3A_15 = tpu.memref_slice %arg4[%dma_wait3A_13, %dma_wait3A_14] : memref<100000x128xf32, #tpu.memory_space<hbm>> -> memref<100000x128xf32, #tpu.memory_space<hbm>>
    tpu.wait_indirect_dma semaphore(%arg12 : memref<!tpu.dma_semaphore, #tpu.memory_space<semaphore_mem>>) src(%dma_wait3A_15 : memref<100000x128xf32, #tpu.memory_space<hbm>>) dst(%arg10 : memref<256x128xf32, #tpu.memory_space<vmem>>)
    %add3A_16 = arith.constant 0 : i32
    %add3A_17 = arith.addi %mul3A_2, %add3A_16 : i32
    %dma_start3A_18 = arith.constant 0 : i32
    %dma_start3A_19 = tpu.memref_slice %arg6[%add3A_17, %dma_start3A_18] : memref<8192x128xf32, #tpu.memory_space<hbm>> -> memref<256x128xf32, #tpu.memory_space<hbm>>
    %dma_start3A_20 = arith.constant 0 : i32
    %dma_start3A_21 = tpu.memref_slice %arg6[%add3A_17, %dma_start3A_20] : memref<8192x128xf32, #tpu.memory_space<hbm>> -> memref<256x128xf32, #tpu.memory_space<hbm>>
    tpu.enqueue_dma source(%arg10 : memref<256x128xf32, #tpu.memory_space<vmem>>) target(%dma_start3A_21 : memref<256x128xf32, #tpu.memory_space<hbm>>) target_semaphore(%arg14 : memref<!tpu.dma_semaphore, #tpu.memory_space<semaphore_mem>>)
    %dma_wait3A_22 = arith.constant 0 : i32
    %dma_wait3A_23 = tpu.memref_slice %arg9[%dma_wait3A_22] : memref<256xi32, #tpu.memory_space<vmem>> -> memref<256xi32, #tpu.memory_space<vmem>>
    %dma_wait3A_24 = arith.constant 0 : i32
    %dma_wait3A_25 = arith.constant 0 : i32
    %dma_wait3A_26 = tpu.memref_slice %arg5[%dma_wait3A_24, %dma_wait3A_25] : memref<100000x128xf32, #tpu.memory_space<hbm>> -> memref<100000x128xf32, #tpu.memory_space<hbm>>
    tpu.wait_indirect_dma semaphore(%arg13 : memref<!tpu.dma_semaphore, #tpu.memory_space<semaphore_mem>>) src(%dma_wait3A_26 : memref<100000x128xf32, #tpu.memory_space<hbm>>) dst(%arg11 : memref<256x128xf32, #tpu.memory_space<vmem>>)
    %add3A_27 = arith.constant 0 : i32
    %add3A_28 = arith.addi %mul3A_2, %add3A_27 : i32
    %dma_start3A_29 = arith.constant 0 : i32
    %dma_start3A_30 = tpu.memref_slice %arg7[%add3A_28, %dma_start3A_29] : memref<8192x128xf32, #tpu.memory_space<hbm>> -> memref<256x128xf32, #tpu.memory_space<hbm>>
    %dma_start3A_31 = arith.constant 0 : i32
    %dma_start3A_32 = tpu.memref_slice %arg7[%add3A_28, %dma_start3A_31] : memref<8192x128xf32, #tpu.memory_space<hbm>> -> memref<256x128xf32, #tpu.memory_space<hbm>>
    tpu.enqueue_dma source(%arg11 : memref<256x128xf32, #tpu.memory_space<vmem>>) target(%dma_start3A_32 : memref<256x128xf32, #tpu.memory_space<hbm>>) target_semaphore(%arg15 : memref<!tpu.dma_semaphore, #tpu.memory_space<semaphore_mem>>)
    %dma_wait3A_33 = arith.constant 0 : i32
    %dma_wait3A_34 = tpu.memref_slice %arg6[%add3A_17, %dma_wait3A_33] : memref<8192x128xf32, #tpu.memory_space<hbm>> -> memref<256x128xf32, #tpu.memory_space<hbm>>
    %dma_wait3A_35 = arith.constant 0 : i32
    %dma_wait3A_36 = tpu.memref_slice %arg6[%add3A_17, %dma_wait3A_35] : memref<8192x128xf32, #tpu.memory_space<hbm>> -> memref<256x128xf32, #tpu.memory_space<hbm>>
    tpu.wait_dma2 semaphore(%arg14 : memref<!tpu.dma_semaphore, #tpu.memory_space<semaphore_mem>>) src(%arg10 : memref<256x128xf32, #tpu.memory_space<vmem>>) dst(%dma_wait3A_36 : memref<256x128xf32, #tpu.memory_space<hbm>>)
    %dma_wait3A_37 = arith.constant 0 : i32
    %dma_wait3A_38 = tpu.memref_slice %arg7[%add3A_28, %dma_wait3A_37] : memref<8192x128xf32, #tpu.memory_space<hbm>> -> memref<256x128xf32, #tpu.memory_space<hbm>>
    %dma_wait3A_39 = arith.constant 0 : i32
    %dma_wait3A_40 = tpu.memref_slice %arg7[%add3A_28, %dma_wait3A_39] : memref<8192x128xf32, #tpu.memory_space<hbm>> -> memref<256x128xf32, #tpu.memory_space<hbm>>
    tpu.wait_dma2 semaphore(%arg15 : memref<!tpu.dma_semaphore, #tpu.memory_space<semaphore_mem>>) src(%arg11 : memref<256x128xf32, #tpu.memory_space<vmem>>) dst(%dma_wait3A_40 : memref<256x128xf32, #tpu.memory_space<hbm>>)
    return
  }
}

module attributes {stable_mosaic.version = 14 : i64} {
  func.func @_mlp_body(%arg0: i32, %arg1: memref<4096x128xf32, #tpu.memory_space<vmem>>, %arg2: memref<4096x128xf32, #tpu.memory_space<vmem>>, %arg3: memref<128x256xf32, #tpu.memory_space<vmem>>, %arg4: memref<128x256xf32, #tpu.memory_space<vmem>>, %arg5: memref<1x256xf32, #tpu.memory_space<vmem>>, %arg6: memref<256x64xf32, #tpu.memory_space<vmem>>, %arg7: memref<1x64xf32, #tpu.memory_space<vmem>>, %arg8: memref<64x1xf32, #tpu.memory_space<vmem>>, %arg9: memref<1x1xf32, #tpu.memory_space<vmem>>, %arg10: memref<4096x1xf32, #tpu.memory_space<vmem>>) attributes {dimension_semantics = [#tpu.dimension_semantics<arbitrary>], iteration_bounds = array<i64: 2>, scalar_prefetch = 0 : i64, scratch_operands = 0 : i64, tpu.core_type = #tpu.core_type<tc>, window_params = [{transform_indices = @transform_0, window_bounds = array<i64: 4096, 128>}, {transform_indices = @transform_1, window_bounds = array<i64: 4096, 128>}, {pipeline_mode = #tpu.pipeline_mode<synchronous>, transform_indices = @transform_2, window_bounds = array<i64: 128, 256>}, {pipeline_mode = #tpu.pipeline_mode<synchronous>, transform_indices = @transform_3, window_bounds = array<i64: 128, 256>}, {pipeline_mode = #tpu.pipeline_mode<synchronous>, transform_indices = @transform_4, window_bounds = array<i64: 1, 256>}, {pipeline_mode = #tpu.pipeline_mode<synchronous>, transform_indices = @transform_5, window_bounds = array<i64: 256, 64>}, {pipeline_mode = #tpu.pipeline_mode<synchronous>, transform_indices = @transform_6, window_bounds = array<i64: 1, 64>}, {pipeline_mode = #tpu.pipeline_mode<synchronous>, transform_indices = @transform_7, window_bounds = array<i64: 64, 1>}, {pipeline_mode = #tpu.pipeline_mode<synchronous>, transform_indices = @transform_8, window_bounds = array<i64: 1, 1>}, {transform_indices = @transform_9, window_bounds = array<i64: 4096, 1>}]} {
    %get3A = arith.constant 0 : index
    %get3A_0 = arith.constant 0 : index
    %get3A_1 = vector.load %arg1[%get3A, %get3A_0] : memref<4096x128xf32, #tpu.memory_space<vmem>>, vector<4096x128xf32>
    %convert_element_type3A = arith.truncf %get3A_1 : vector<4096x128xf32> to vector<4096x128xbf16>
    %get3A_2 = arith.constant 0 : index
    %get3A_3 = arith.constant 0 : index
    %get3A_4 = vector.load %arg3[%get3A_2, %get3A_3] : memref<128x256xf32, #tpu.memory_space<vmem>>, vector<128x256xf32>
    %convert_element_type3A_5 = arith.truncf %get3A_4 : vector<128x256xf32> to vector<128x256xbf16>
    %dot_general3A = arith.constant dense<0.000000e+00> : vector<4096x256xf32>
    %dot_general3A_6 = tpu.matmul %convert_element_type3A, %convert_element_type3A_5, %dot_general3A {dimension_numbers = #tpu.dot_dimension_numbers<[1], [0], [0], [1], [0, 0, 1, 1], [], []>, transpose_lhs_hint = false} : vector<4096x128xbf16>, vector<128x256xbf16>, vector<4096x256xf32> -> vector<4096x256xf32>
    %get3A_7 = arith.constant 0 : index
    %get3A_8 = arith.constant 0 : index
    %get3A_9 = vector.load %arg2[%get3A_7, %get3A_8] : memref<4096x128xf32, #tpu.memory_space<vmem>>, vector<4096x128xf32>
    %convert_element_type3A_10 = arith.truncf %get3A_9 : vector<4096x128xf32> to vector<4096x128xbf16>
    %get3A_11 = arith.constant 0 : index
    %get3A_12 = arith.constant 0 : index
    %get3A_13 = vector.load %arg4[%get3A_11, %get3A_12] : memref<128x256xf32, #tpu.memory_space<vmem>>, vector<128x256xf32>
    %convert_element_type3A_14 = arith.truncf %get3A_13 : vector<128x256xf32> to vector<128x256xbf16>
    %dot_general3A_15 = arith.constant dense<0.000000e+00> : vector<4096x256xf32>
    %dot_general3A_16 = tpu.matmul %convert_element_type3A_10, %convert_element_type3A_14, %dot_general3A_15 {dimension_numbers = #tpu.dot_dimension_numbers<[1], [0], [0], [1], [0, 0, 1, 1], [], []>, transpose_lhs_hint = false} : vector<4096x128xbf16>, vector<128x256xbf16>, vector<4096x256xf32> -> vector<4096x256xf32>
    %add3A = arith.addf %dot_general3A_6, %dot_general3A_16 : vector<4096x256xf32>
    %get3A_17 = arith.constant 0 : index
    %get3A_18 = arith.constant 0 : index
    %get3A_19 = vector.load %arg5[%get3A_17, %get3A_18] : memref<1x256xf32, #tpu.memory_space<vmem>>, vector<1x256xf32>
    %add3A_20 = vector.broadcast %get3A_19 : vector<1x256xf32> to vector<4096x256xf32>
    %add3A_21 = arith.addf %add3A, %add3A_20 : vector<4096x256xf32>
    %max3A = arith.constant 0.000000e+00 : f32
    %max3A_22 = vector.broadcast %max3A : f32 to vector<4096x256xf32>
    %max3A_23 = arith.maximumf %add3A_21, %max3A_22 : vector<4096x256xf32>
    %convert_element_type3A_24 = arith.truncf %max3A_23 : vector<4096x256xf32> to vector<4096x256xbf16>
    %get3A_25 = arith.constant 0 : index
    %get3A_26 = arith.constant 0 : index
    %get3A_27 = vector.load %arg6[%get3A_25, %get3A_26] : memref<256x64xf32, #tpu.memory_space<vmem>>, vector<256x64xf32>
    %convert_element_type3A_28 = arith.truncf %get3A_27 : vector<256x64xf32> to vector<256x64xbf16>
    %dot_general3A_29 = arith.constant dense<0.000000e+00> : vector<4096x64xf32>
    %dot_general3A_30 = tpu.matmul %convert_element_type3A_24, %convert_element_type3A_28, %dot_general3A_29 {dimension_numbers = #tpu.dot_dimension_numbers<[1], [0], [0], [1], [0, 0, 1, 1], [], []>, transpose_lhs_hint = false} : vector<4096x256xbf16>, vector<256x64xbf16>, vector<4096x64xf32> -> vector<4096x64xf32>
    %get3A_31 = arith.constant 0 : index
    %get3A_32 = arith.constant 0 : index
    %get3A_33 = vector.load %arg7[%get3A_31, %get3A_32] : memref<1x64xf32, #tpu.memory_space<vmem>>, vector<1x64xf32>
    %add3A_34 = vector.broadcast %get3A_33 : vector<1x64xf32> to vector<4096x64xf32>
    %add3A_35 = arith.addf %dot_general3A_30, %add3A_34 : vector<4096x64xf32>
    %max3A_36 = arith.constant 0.000000e+00 : f32
    %max3A_37 = vector.broadcast %max3A_36 : f32 to vector<4096x64xf32>
    %max3A_38 = arith.maximumf %add3A_35, %max3A_37 : vector<4096x64xf32>
    %get3A_39 = arith.constant 0 : index
    %get3A_40 = arith.constant 0 : index
    %get3A_41 = vector.load %arg8[%get3A_39, %get3A_40] : memref<64x1xf32, #tpu.memory_space<vmem>>, vector<64x1xf32>
    %dot_general3A_42 = arith.constant dense<0.000000e+00> : vector<4096x1xf32>
    %dot_general3A_43 = tpu.matmul %max3A_38, %get3A_41, %dot_general3A_42 {dimension_numbers = #tpu.dot_dimension_numbers<[1], [0], [0], [1], [0, 0, 1, 1], [], []>, transpose_lhs_hint = false} : vector<4096x64xf32>, vector<64x1xf32>, vector<4096x1xf32> -> vector<4096x1xf32>
    %get3A_44 = arith.constant 0 : index
    %get3A_45 = arith.constant 0 : index
    %get3A_46 = vector.load %arg9[%get3A_44, %get3A_45] : memref<1x1xf32, #tpu.memory_space<vmem>>, vector<1x1xf32>
    %add3A_47 = vector.broadcast %get3A_46 : vector<1x1xf32> to vector<4096x1xf32>
    %add3A_48 = arith.addf %dot_general3A_43, %add3A_47 : vector<4096x1xf32>
    %swap3A = arith.constant 0 : index
    %swap3A_49 = arith.constant 0 : index
    %swap3A_50 = vector.load %arg10[%swap3A, %swap3A_49] : memref<4096x1xf32, #tpu.memory_space<vmem>>, vector<4096x1xf32>
    tpu.vector_store %arg10[%swap3A, %swap3A_49], %add3A_48 {strides = array<i32>} : memref<4096x1xf32, #tpu.memory_space<vmem>>, vector<4096x1xf32>,
    return
  }
  func.func @transform_0(%arg0: i32) -> (i32, i32) {
    %c0_i32 = arith.constant 0 : i32
    %c0_i32_0 = arith.constant 0 : i32
    return %arg0, %c0_i32 : i32, i32
  }
  func.func @transform_1(%arg0: i32) -> (i32, i32) {
    %c0_i32 = arith.constant 0 : i32
    %c0_i32_0 = arith.constant 0 : i32
    return %arg0, %c0_i32 : i32, i32
  }
  func.func @transform_2(%arg0: i32) -> (i32, i32) {
    %c0_i32 = arith.constant 0 : i32
    %c0_i32_0 = arith.constant 0 : i32
    %c0_i32_1 = arith.constant 0 : i32
    return %c0_i32, %c0_i32_0 : i32, i32
  }
  func.func @transform_3(%arg0: i32) -> (i32, i32) {
    %c0_i32 = arith.constant 0 : i32
    %c0_i32_0 = arith.constant 0 : i32
    %c0_i32_1 = arith.constant 0 : i32
    return %c0_i32, %c0_i32_0 : i32, i32
  }
  func.func @transform_4(%arg0: i32) -> (i32, i32) {
    %c0_i32 = arith.constant 0 : i32
    %c0_i32_0 = arith.constant 0 : i32
    %c0_i32_1 = arith.constant 0 : i32
    return %c0_i32, %c0_i32_0 : i32, i32
  }
  func.func @transform_5(%arg0: i32) -> (i32, i32) {
    %c0_i32 = arith.constant 0 : i32
    %c0_i32_0 = arith.constant 0 : i32
    %c0_i32_1 = arith.constant 0 : i32
    return %c0_i32, %c0_i32_0 : i32, i32
  }
  func.func @transform_6(%arg0: i32) -> (i32, i32) {
    %c0_i32 = arith.constant 0 : i32
    %c0_i32_0 = arith.constant 0 : i32
    %c0_i32_1 = arith.constant 0 : i32
    return %c0_i32, %c0_i32_0 : i32, i32
  }
  func.func @transform_7(%arg0: i32) -> (i32, i32) {
    %c0_i32 = arith.constant 0 : i32
    %c0_i32_0 = arith.constant 0 : i32
    %c0_i32_1 = arith.constant 0 : i32
    return %c0_i32, %c0_i32_0 : i32, i32
  }
  func.func @transform_8(%arg0: i32) -> (i32, i32) {
    %c0_i32 = arith.constant 0 : i32
    %c0_i32_0 = arith.constant 0 : i32
    %c0_i32_1 = arith.constant 0 : i32
    return %c0_i32, %c0_i32_0 : i32, i32
  }
  func.func @transform_9(%arg0: i32) -> (i32, i32) {
    %c0_i32 = arith.constant 0 : i32
    %c0_i32_0 = arith.constant 0 : i32
    return %arg0, %c0_i32 : i32, i32
  }
}

</mosaic_0001>

<sc_bundles>
// kernel: kernel.6.cloned.1.call-start
scs
__scs_entry_jumppad:
0x0: {  	(pc) =	sbr.rel $0x88, $3  }
0x1: {  	(tag) =	ssettag $0x0;
	lr =	simm.s32 $0x1  }
0x2: {  	[smem:$0x3F97] =	sst lr;
	_ =	strace $0xD0000000  }
0x3: {  	_ = 	snop  }
0x4: {  	_ = 	snop  }
0x5: {  	_ = 	snop  }
0x6: {  	_ = 	snop  }
0x7: {  	_ = 	snop  }
__scs_overlays_trampoline_lowered:
0x8: {  	[smem:$0x3FA6] =	sst s0  }
0x9: {  	[smem:$0x3FA7] =	sst s1  }
0xa: {  	[smem:$0x3FA8] =	sst s2  }
0xb: {  	[smem:$0x3FA9] =	sst s3  }
0xc: {  	[smem:$0x3FAA] =	sst s4  }
0xd: {  	[smem:$0x3FAB] =	sst s5  }
0xe: {  	[smem:$0x3FAC] =	sst s6  }
0xf: {  	[smem:$0x3FAD] =	sst s7  }
0x10: {  	[smem:$0x3FAE] =	sst s8  }
0x11: {  	[smem:$0x3FAF] =	sst s9;
	s0 =	simm.s32 @!p0 $0x0  }
0x12: {  	s1 =	sld [smem:$0x3F95];
	s0 =	simm.s32 @p0 $0x1  }
0x13: {  	[smem:$0x3FB0] =	sst s0;
	s0 =	simm.s32 @!p1 $0x0  }
0x14: {  	s2 =	sld [smem:$0x3F94];
	s0 =	simm.s32 @p1 $0x1  }
0x15: {  	[smem:$0x3FB1] =	sst s0;
	s0 =	simm.s32 @!p2 $0x0  }
0x16: {  	s3 =	sld [smem:$0x3FDB];
	s0 =	simm.s32 @p2 $0x1  }
0x17: {  	s4 =	simm.s32 $0x1BF5;
	[smem:$0x3FB3] =	sst s0  }
0x18: {  	s0 =	sld [smem:$0x3F96];
	_ =	swait.ge [sflag:s4], $0x0  }
0x19: {  	s7 =	sld [smem:$0x3F97]  }
0x1a: {  	s8 =	sadd.s32 $0xFFFFE003, lr  }
0x1b: {  	s9 =	sadd.s32 $0xFFFFFEF7, lr;
	s5 =	simm.s32 $0xFFFFFFFF;
	p2 =	slt.u32 s8, $0xFFFFF086  }
0x1c: {  	p1 =	slt.u32 s9, $0xF7A;
	s5 =	simm.s32 @!p2 $0x0  }
0x1d: {  	s5 =	simm.s32 @p1 $0x1;
	p0 =	seq.s32 s7, s2  }
0x1e: {  	s7 =	smul.u32 @!p0 $0xF7A, s2;
	p2 =	seq.s32 @!p0 s5, $0x0  }
0x1f: {  	s9 =	smul.u32 $0xF7A, s1;
	s8 =	simm.s32 @!p0 $0x1BF5;
	p2 =	por !p2, p0  }
0x20: {  	[sflag:s8] =	ssyncset.s32 @!p0 $0xFFFFF086;
	s6 =	sadd.s32 @!p0 s3, s7;
	s7 =	simm.s32 @!p0 $0x108  }
0x21: {  	s3 =	sadd.s32 s3, s9;
	s6 =	sadd.s32 @!p0 $0x88, s6;
	s7 =	simm.s32 @p2 $0x1082  }
0x22: {  	[simem:s7], [sflag:s8] =	dma.local @!p0 [hbm:s6], $0xF7A  }
0x23: {  	s9 =	sor.u32 $0xD0000000, s2;
	s6 =	simm.s32 $0x108;
	_ =	swait.ge @!p0 [sflag:s8], $0x0  }
0x24: {  	s3 =	sadd.s32 $0x88, s3;
	s6 =	simm.s32 @!p1 $0x1082;
	[sflag:s4] =	ssyncset.s32 $0xFFFFF086  }
0x25: {  	[simem:s6], [sflag:s4] =	dma.local [hbm:s3], $0xF7A  }
0x26: {  	[smem:$0x3F97] =	sst s1;
	(tag) =	ssettag s2;
	_ =	strace s9  }
0x27: {  	s1 =	sld [smem:$0x3FA7]  }
0x28: {  	s2 =	sld [smem:$0x3FA8]  }
0x29: {  	s4 =	sld [smem:$0x3FAA]  }
0x2a: {  	p0 =	seq.s32 s5, $0x0;
	s5 =	sld [smem:$0x3FAB]  }
0x2b: {  	s6 =	sld [smem:$0x3FAC]  }
0x2c: {  	s7 =	sld [smem:$0x3FAD]  }
0x2d: {  	s3 =	simm.s32 $0x108;
	s8 =	sld [smem:$0x3FAE]  }
0x2e: {  	s3 =	simm.s32 @!p0 $0x1082;
	s9 =	sld [smem:$0x3FAF]  }
0x2f: {  	lr =	sadd.s32 s0, s3;
	s0 =	sld [smem:$0x3FA6]  }
0x30: {  	s3 =	sld [smem:$0x3FA9]  }
0x31: {  	[smem:$0x3FB2] =	sst s10  }
0x32: {  	s10 =	sld [smem:$0x3FB0];
	_ =	sdelay $0x3  }
0x33: {  	p0 =	seq.s32 s10, $0x1;
	s10 =	sld [smem:$0x3FB2];
	_ =	sdelay $0x3  }
0x34: {  	[smem:$0x3FB2] =	sst s10  }
0x35: {  	s10 =	sld [smem:$0x3FB1];
	_ =	sdelay $0x3  }
0x36: {  	p1 =	seq.s32 s10, $0x1;
	s10 =	sld [smem:$0x3FB2];
	_ =	sdelay $0x3  }
0x37: {  	[smem:$0x3FB2] =	sst s10  }
0x38: {  	s10 =	sld [smem:$0x3FB3]  }
0x39: {  	_ = 	snop;
	(pc) =	sbr.ind lr, $3  }
0x3a: {  	_ = 	snop  }
0x3b: {  	_ = 	snop  }
0x3c: {  	p2 =	seq.s32 s10, $0x1;
	s10 =	sld [smem:$0x3FB2]  }
0x3d: {  	_ =	shalt  }
0x3e: {  	_ =	shalt  }
0x3f: {  	_ =	shalt  }
0x40: {  	_ =	shalt  }
0x41: {  	_ =	shalt  }
0x42: {  	_ =	shalt  }
0x43: {  	_ =	shalt  }
0x44: {  	_ =	shalt  }
0x45: {  	_ =	shalt  }
0x46: {  	_ =	shalt  }
0x47: {  	_ =	shalt  }
0x48: {  	_ =	shalt  }
0x49: {  	_ =	shalt  }
0x4a: {  	_ =	shalt  }
0x4b: {  	_ =	shalt  }
0x4c: {  	_ =	shalt  }
0x4d: {  	_ =	shalt  }
0x4e: {  	_ =	shalt  }
0x4f: {  	_ =	shalt  }
0x50: {  	_ =	shalt  }
0x51: {  	_ =	shalt  }
0x52: {  	_ =	shalt  }
0x53: {  	_ =	shalt  }
0x54: {  	_ =	shalt  }
0x55: {  	_ =	shalt  }
0x56: {  	_ =	shalt  }
0x57: {  	_ =	shalt  }
0x58: {  	_ =	shalt  }
0x59: {  	_ =	shalt  }
0x5a: {  	_ =	shalt  }
0x5b: {  	_ =	shalt  }
0x5c: {  	_ =	shalt  }
0x5d: {  	_ =	shalt  }
0x5e: {  	_ =	shalt  }
0x5f: {  	_ =	shalt  }
0x60: {  	_ =	shalt  }
0x61: {  	_ =	shalt  }
0x62: {  	_ =	shalt  }
0x63: {  	_ =	shalt  }
0x64: {  	_ =	shalt  }
0x65: {  	_ =	shalt  }
0x66: {  	_ =	shalt  }
0x67: {  	_ =	shalt  }
0x68: {  	_ =	shalt  }
0x69: {  	_ =	shalt  }
0x6a: {  	_ =	shalt  }
0x6b: {  	_ =	shalt  }
0x6c: {  	_ =	shalt  }
0x6d: {  	_ =	shalt  }
0x6e: {  	_ =	shalt  }
0x6f: {  	_ =	shalt  }
0x70: {  	_ =	shalt  }
0x71: {  	_ =	shalt  }
0x72: {  	_ =	shalt  }
0x73: {  	_ =	shalt  }
0x74: {  	_ =	shalt  }
0x75: {  	_ =	shalt  }
0x76: {  	_ =	shalt  }
0x77: {  	_ =	shalt  }
0x78: {  	_ =	shalt  }
0x79: {  	_ =	shalt  }
0x7a: {  	_ =	shalt  }
0x7b: {  	_ =	shalt  }
0x7c: {  	_ =	shalt  }
0x7d: {  	_ =	shalt  }
0x7e: {  	_ =	shalt  }
0x7f: {  	_ =	shalt  }
0x80: {  	_ =	shalt  }
0x81: {  	_ =	shalt  }
0x82: {  	_ =	shalt  }
0x83: {  	_ =	shalt  }
0x84: {  	_ =	shalt  }
0x85: {  	_ =	shalt  }
0x86: {  	_ =	shalt  }
0x87: {  	_ =	shalt  }
.Lfunc_end0:
.L_simem_size_0:
called_computation_lowered:
.L_overlay_start_0:
0x88: {  	s2 =	sld [smem:$0x3FD9]  }
0x89: {  	s3 =	sld [smem:$0x3FFE];
	_ =	sdelay $0x1  }
0x8a: {  	s1 =	srdreg.scid  }
0x8b: {  	s0 =	sand.u32 $0x1, s1  }
0x8c: {  	s17 =	sshll.u32 s0, $0xA;
	s2 =	sadd.s32 s3, s2  }
0x8d: {  	s2 =	sadd.s32 s2, s17  }
0x8e: {  	[smem:$0x3FBE] =	sst s2  }
0x8f: {  	_ = 	snop  }
0x90: {  	s2 =	sld [smem:$0x3FC7]  }
0x91: {  	s18 =	sld [smem:$0x3FC6]  }
0x92: {  	s4 =	sld [smem:$0x3FD0];
	(tm) =	ssettm $0x1  }
0x93: {  	s5 =	sld [smem:$0x3FFB];
	_ =	sdelay $0x3  }
0x94: {  	_ =	strace s5  }
0x95: {  	s5 =	sld [smem:$0x3FFC];
	_ =	sdelay $0x3  }
0x96: {  	_ =	strace s5  }
0x97: {  	s5 =	sld [smem:$0x3FFD];
	_ =	sdelay $0x3  }
0x98: {  	_ =	strace s5  }
0x99: {  	_ =	strace $0x8FFFFFFF  }
0x9a: {  	s19 =	sld [smem:$0x3FDB];
	_ =	sdelay $0x1  }
0x9b: {  	s6 =	simm.s32 $_scs_section_size  }
0x9c: {  	s7 =	simm.s32 $_size__tile_overlayer_lowered;
	s8 =	simm.s32 $_tile_overlayer_lowered  }
0x9d: {  	s22 =	simm.s32 $0x1BFF;
	s21 =	sshll.u32 s8, $0x1;
	s5 =	sadd.s32 s6, s19  }
0x9e: {  	s9 =	simm.s32 $0x0;
	s20 =	sshll.u32 s7, $0x1;
	s7 =	sadd.s32 s21, s5  }
0x9f: {  	[timem:s9], [sflag:s22] =	dma.local [hbm:s7], s20  }
0xa0: {  	_ =	swait.ge [sflag:s22], s20  }
0xa1: {  	s6 =	ssub.s32 $0x0, s20;
	[sflag:s22] =	ssyncset.done $0x0  }
0xa2: {  	[sflag:s22] =	ssyncadd.s32 s6;
	_ =	sdelay $0x1  }
0xa3: {  	s23 =	simm.s32 $0x1B8B  }
0xa4: {  	_ =	swait.ge [sflag:s23], $0x1  }
0xa5: {  	[sflag:s23] =	ssyncset.done $0x0  }
0xa6: {  	s25 =	simm.s32 $0x1B8E;
	s24 =	sld [smem:$0x3FFE];
	[sflag:s23] =	ssyncadd.s32 $0xFFFFFFFF  }
0xa7: {  	s26 =	simm.s32 $execute0_lowered;
	[smem:$0x3FD2] =	sst s25  }
0xa8: {  	s7 =	sshll.u32 s26, $0x1;
	_ =	strace $0x80000046;
	[dreg:$0x1] =	wrdreg $0xFFFFFFFF  }
0xa9: {  	s28 =	simm.s32 $_size_execute0_lowered;
	s5 =	sadd.s32 s5, s7;
	[dreg:$0x0] =	wrdreg $0x0  }
0xaa: {  	s7 =	sshll.u32 s28, $0x1;
	[dreg:$0x2] =	wrdreg s5  }
0xab: {  	[dreg:$0x3] =	wrdreg s7  }
0xac: {  	[dreg:$0x4] =	wrdreg $0xC0  }
0xad: {  	_ =	task [dreg:s9], $0x5FFFF  }
0xae: {  	[dreg:$0x1] =	wrdreg $0xFFFFFFFF  }
0xaf: {  	[dreg:$0x0] =	wrdreg $0x60  }
0xb0: {  	[dreg:$0x2] =	wrdreg s24  }
0xb1: {  	[dreg:$0x3] =	wrdreg s4  }
0xb2: {  	[dreg:$0x4] =	wrdreg s2  }
0xb3: {  	[dreg:$0x5] =	wrdreg s18  }
0xb4: {  	[dreg:$0x6] =	wrdreg $0x9  }
0xb5: {  	_ =	task.clear_ibuf [dreg:s9], $0x7FFFF;
	_ =	strace $0x90000046  }
0xb6: {  	s29 =	simm.s32 $0x9;
	_ =	strace $0x80000048  }
0xb7: {  	_ =	swait.ge [sflag:s29], $0x1  }
0xb8: {  	[sflag:s29] =	ssyncadd.s32 $0xFFFFFFFF  }
0xb9: {  	_ =	strace $0x90000048  }
0xba: {  	_ =	sfence  }
0xbb: {  	s30 =	sld [smem:$0x0];
	_ =	sdelay $0x2  }
0xbc: {  	s31 =	sshll.u32 s1, $0xD;
	s1 =	sshrl.u32 s1, $0x2  }
0xbd: {  	s3 =	sand.u32 $0x4000, s31;
	s1 =	sadd.s32 s1, s30  }
0xbe: {  	s0 =	sor.u32 s3, s0;
	s1 =	sshll.u32 s1, $0x11  }
0xbf: {  	s0 =	sor.u32 s1, s0  }
0xc0: {  	s0 =	sadd.s32 $0x8F2B, s0  }
0xc1: {  	[sflag:s0] =	ssyncadd.remote.s32 $0x1  }
0xc2: {  	_ =	sfence.sel $0xFFFF  }
0xc3: {  	[dreg:$0x0] =	wrdreg $0xFFFFFFFF;
	(pc) =	sbr.abs _section_cstart, $3  }
0xc4: {  	[dreg:$0x1] =	wrdreg $0xFFFFFFFF  }
0xc5: {  	_ =	task.clear_ibuf [dreg:s9], $0x2FFFF;
	_ =	strace $0x9FFFFFFF  }
0xc6: {  	(tm) =	ssettm $0x7FFFFFFF  }
0xc7: {  	_ =	shalt  }
tec
execute0_lowered:
.L_overlay_start_1:
0x0: {  	(tag) =	ssettag $0x1  }
0x1: {  	s1 =	srdreg.scid  }
0x2: {  	s12 =	rddreg [dreg:$0x0];
	s0 =	stileid.u32;
	s14 =	sand.u32 $0x1, s1  }
0x3: {  	s7 =	rddreg [dreg:$0x1];
	s31 =	sshll.u32 s0, $0x9;
	s4 =	sshll.u32 s14, $0x8  }
0x4: {  	s2 =	rddreg [dreg:$0x2];
	s13 =	sor.u32 s4, s31  }
0x5: {  	s3 =	rddreg [dreg:$0x3];
	s4 =	simm.s32 $0x0;
	s8 =	sshrl.u32 s13, $0x3  }
0x6: {  	s6 =	simm.s32 $0x5;
	[smem:$0x7FF] =	sst s4;
	s5 =	sadd.s32 s8, s12  }
0x7: {  	s1 =	rddreg [dreg:$0x4];
	_ =	strace $0x80000047;
	s5 =	sadd.s32 $0x2600, s5  }
0x8: {  	[tilespmem:s4], [sflag:$0x5] =	stream.linear.gather [hbm4b:s5+s4], $0x100, $0x38;
	[tilespmem:$0x10200] =	vst v63  }
0x9: {  	_ =	swait.ge [sflag:s6], $0x100  }
0xa: {  	[sflag:s6] =	ssyncset.done $0x0  }
0xb: {  	s7 =	sadd.s32 s7, s8;
	s8 =	simm.s32 $0x100;
	[sflag:s6] =	ssyncadd.s32 $0xFFFFFF00  }
0xc: {  	[tilespmem:s8], [sflag:$0x5] =	stream.linear.gather [hbm4b:s7+s4], $0x100, $0x38;
	[tilespmem:$0x10200] =	vst v63  }
0xd: {  	_ =	swait.ge [sflag:s6], $0x100  }
0xe: {  	[sflag:s6] =	ssyncset.done $0x0  }
0xf: {  	s9 =	simm.s32 $0x200;
	[sflag:s6] =	ssyncadd.s32 $0xFFFFFF00  }
0x10: {  	[tilespmem:s9], [sflag:$0x1] =	stream.indirect.gather [hbm4b:s2+s8], $0x80, s4, s8, $0xb8;
	[tilespmem:$0x10200] =	vst v63  }
0x11: {  	s10 =	simm.s32 $0x8200;
	s11 =	simm.s32 $0x1  }
0x12: {  	[tilespmem:s10], [sflag:$0x2] =	stream.indirect.gather [hbm4b:s3+s8], $0x80, s8, s8, $0xb8;
	[tilespmem:$0x10200] =	vst v63  }
0x13: {  	s16 =	ssub.s32 $0x2, s14;
	s13 =	sshll.u32 s13, $0x4;
	_ =	swait.ge [sflag:s11], $0x8000  }
0x14: {  	s17 =	sshrl.u32 s16, $0x1;
	s15 =	sadd.s32 s13, s12;
	[sflag:s11] =	ssyncset.done $0x0  }
0x15: {  	s13 =	simm.s32 $0x2;
	s12 =	sadd.s32 $0x3200, s15;
	[sflag:s11] =	ssyncadd.s32 $0xFFFF8000  }
0x16: {  	[hbm4b:s12+s4] =	stream.linear.scatter [tilespmem:s9], [sflag:$0x3], $0x8000, $0x38;
	[tilespmem:$0x10200] =	vst v63  }
0x17: {  	s16 =	ssub.s32 s16, s17;
	_ =	swait.ge [sflag:s13], $0x8000  }
0x18: {  	s17 =	smax.u32 s16, $0x1;
	s14 =	sadd.s32 $0x23200, s15;
	[sflag:s13] =	ssyncset.done $0x0  }
0x19: {  	s15 =	simm.s32 $0x3;
	p0 =	sne.s32 s17, $0x1;
	[sflag:s13] =	ssyncadd.s32 $0xFFFF8000  }
0x1a: {  	[hbm4b:s14+s4] =	stream.linear.scatter [tilespmem:s10], [sflag:$0x4], $0x8000, $0x38;
	[tilespmem:$0x10200] =	vst v63  }
.Ltmp0:
0x1b: {  	_ =	swait.ge [sflag:s15], $0x8000;
	(pc) =	sbr.rel @!p0 .LBB2_2-.Ltmp0, $4  }
0x1c: {  	[sflag:s15] =	ssyncset.done $0x0  }
0x1d: {  	s16 =	simm.s32 $0x4;
	[sflag:s15] =	ssyncadd.s32 $0xFFFF8000  }
0x1e: {  	_ =	swait.ge [sflag:s16], $0x8000  }
0x1f: {  	s17 =	sadd.s32 $0xFFFFFFFF, s17;
	[sflag:s16] =	ssyncset.done $0x0  }
.LBB2_1:
0x20: {  	p0 =	sne.s32 s17, $0x1;
	s17 =	sadd.s32 $0xFFFFFFFF, s17;
	[sflag:s16] =	ssyncadd.s32 $0xFFFF8000  }
0x21: {  	[tilespmem:s4], [sflag:$0x5] =	stream.linear.gather [hbm4b:s5+s4], $0x100, $0x38;
	[tilespmem:$0x10200] =	vst v63  }
0x22: {  	_ =	swait.ge [sflag:s6], $0x100  }
0x23: {  	[sflag:s6] =	ssyncset.done $0x0  }
0x24: {  	[sflag:s6] =	ssyncadd.s32 $0xFFFFFF00  }
0x25: {  	[tilespmem:s8], [sflag:$0x5] =	stream.linear.gather [hbm4b:s7+s4], $0x100, $0x38;
	[tilespmem:$0x10200] =	vst v63  }
0x26: {  	_ =	swait.ge [sflag:s6], $0x100  }
0x27: {  	[sflag:s6] =	ssyncset.done $0x0  }
0x28: {  	[sflag:s6] =	ssyncadd.s32 $0xFFFFFF00  }
0x29: {  	[tilespmem:s9], [sflag:$0x1] =	stream.indirect.gather [hbm4b:s2+s8], $0x80, s4, s8, $0xb8;
	[tilespmem:$0x10200] =	vst v63  }
0x2a: {  	_ = 	snop  }
0x2b: {  	[tilespmem:s10], [sflag:$0x2] =	stream.indirect.gather [hbm4b:s3+s8], $0x80, s8, s8, $0xb8;
	[tilespmem:$0x10200] =	vst v63  }
0x2c: {  	_ =	swait.ge [sflag:s11], $0x8000  }
0x2d: {  	[sflag:s11] =	ssyncset.done $0x0  }
0x2e: {  	[sflag:s11] =	ssyncadd.s32 $0xFFFF8000  }
0x2f: {  	[hbm4b:s12+s4] =	stream.linear.scatter [tilespmem:s9], [sflag:$0x3], $0x8000, $0x38;
	[tilespmem:$0x10200] =	vst v63  }
0x30: {  	_ =	swait.ge [sflag:s13], $0x8000  }
0x31: {  	[sflag:s13] =	ssyncset.done $0x0  }
0x32: {  	[sflag:s13] =	ssyncadd.s32 $0xFFFF8000  }
0x33: {  	[hbm4b:s14+s4] =	stream.linear.scatter [tilespmem:s10], [sflag:$0x4], $0x8000, $0x38;
	[tilespmem:$0x10200] =	vst v63  }
.Ltmp1:
0x34: {  	_ =	swait.ge [sflag:s15], $0x8000;
	(pc) =	sbr.rel @p0 .LBB2_1-.Ltmp1, $4  }
0x35: {  	[sflag:s15] =	ssyncset.done $0x0  }
0x36: {  	[sflag:s15] =	ssyncadd.s32 $0xFFFF8000  }
0x37: {  	_ =	swait.ge [sflag:s16], $0x8000  }
0x38: {  	[sflag:s16] =	ssyncset.done $0x0  }
.LBB2_2:
0x39: {  	[sflag:s16] =	ssyncadd.s32 $0xFFFF8000  }
0x3a: {  	_ =	sfence.sel $0x180000  }
0x3b: {  	[bflag:$0x0] =	sbarrier.arrive $0xFFFF  }
0x3c: {  	p0 =	sne.s32 s0, $0x0;
	_ =	strace $0x90000047  }
0x3d: {  	s0 =	sadd.s32 @!p0 $0x100000, s1;
	[bflag:$0x2] =	sbarrier.arrive $0xFFFF  }
0x3e: {  	[sflag:s0] =	ssyncadd.tile.s32 @!p0 $0x1;
	_ =	shalt  }
.Lfunc_end2:
_tile_overlayer_lowered:
.L_overlay_start_2:
0x3f: {  	(tag) =	ssettag $0x2  }
0x40: {  	s0 =	rddreg [dreg:$0x0];
	s2 =	stileid.u32  }
0x41: {  	s1 =	rddreg [dreg:$0x1];
	p0 =	sne.s32 s2, $0x0  }
0x42: {  	s3 =	rddreg [dreg:$0x2];
	[bflag:$0x3] =	sbarrier.arrive $0xFFFF;
	s2 =	simm.s32 @!p0 $0x1C05  }
0x43: {  	[timem:s3], [sflag:s2] =	dma.local @!p0 [hbm:s0], s1  }
0x44: {  	s0 =	simm.s32 @!p0 $0x5  }
0x45: {  	_ =	swait.ge @!p0 [sflag:s0], s1  }
0x46: {  	s1 =	ssub.s32 @!p0 $0x0, s1;
	[sflag:s0] =	ssyncset.done @!p0 $0x0  }
0x47: {  	[sflag:s0] =	ssyncadd.s32 @!p0 s1  }
0x48: {  	[bflag:$0x3] =	sbarrier.arrive $0xFFFF  }
0x49: {  	_ =	shalt  }

// kernel: kernel.9.cloned.1.call-start
scs
__scs_entry_jumppad:
0x0: {  	(pc) =	sbr.rel $0x88, $3  }
0x1: {  	(tag) =	ssettag $0x0;
	lr =	simm.s32 $0x1  }
0x2: {  	[smem:$0x3F97] =	sst lr;
	_ =	strace $0xD0000000  }
0x3: {  	_ = 	snop  }
0x4: {  	_ = 	snop  }
0x5: {  	_ = 	snop  }
0x6: {  	_ = 	snop  }
0x7: {  	_ = 	snop  }
__scs_overlays_trampoline_lowered:
0x8: {  	[smem:$0x3FA6] =	sst s0  }
0x9: {  	[smem:$0x3FA7] =	sst s1  }
0xa: {  	[smem:$0x3FA8] =	sst s2  }
0xb: {  	[smem:$0x3FA9] =	sst s3  }
0xc: {  	[smem:$0x3FAA] =	sst s4  }
0xd: {  	[smem:$0x3FAB] =	sst s5  }
0xe: {  	[smem:$0x3FAC] =	sst s6  }
0xf: {  	[smem:$0x3FAD] =	sst s7  }
0x10: {  	[smem:$0x3FAE] =	sst s8  }
0x11: {  	[smem:$0x3FAF] =	sst s9;
	s0 =	simm.s32 @!p0 $0x0  }
0x12: {  	s1 =	sld [smem:$0x3F95];
	s0 =	simm.s32 @p0 $0x1  }
0x13: {  	[smem:$0x3FB0] =	sst s0;
	s0 =	simm.s32 @!p1 $0x0  }
0x14: {  	s2 =	sld [smem:$0x3F94];
	s0 =	simm.s32 @p1 $0x1  }
0x15: {  	[smem:$0x3FB1] =	sst s0;
	s0 =	simm.s32 @!p2 $0x0  }
0x16: {  	s3 =	sld [smem:$0x3FDB];
	s0 =	simm.s32 @p2 $0x1  }
0x17: {  	s4 =	simm.s32 $0x1BF5;
	[smem:$0x3FB3] =	sst s0  }
0x18: {  	s0 =	sld [smem:$0x3F96];
	_ =	swait.ge [sflag:s4], $0x0  }
0x19: {  	s7 =	sld [smem:$0x3F97]  }
0x1a: {  	s8 =	sadd.s32 $0xFFFFE003, lr  }
0x1b: {  	s9 =	sadd.s32 $0xFFFFFEF7, lr;
	s5 =	simm.s32 $0xFFFFFFFF;
	p2 =	slt.u32 s8, $0xFFFFF086  }
0x1c: {  	p1 =	slt.u32 s9, $0xF7A;
	s5 =	simm.s32 @!p2 $0x0  }
0x1d: {  	s5 =	simm.s32 @p1 $0x1;
	p0 =	seq.s32 s7, s2  }
0x1e: {  	s7 =	smul.u32 @!p0 $0xF7A, s2;
	p2 =	seq.s32 @!p0 s5, $0x0  }
0x1f: {  	s9 =	smul.u32 $0xF7A, s1;
	s8 =	simm.s32 @!p0 $0x1BF5;
	p2 =	por !p2, p0  }
0x20: {  	[sflag:s8] =	ssyncset.s32 @!p0 $0xFFFFF086;
	s6 =	sadd.s32 @!p0 s3, s7;
	s7 =	simm.s32 @!p0 $0x108  }
0x21: {  	s3 =	sadd.s32 s3, s9;
	s6 =	sadd.s32 @!p0 $0x88, s6;
	s7 =	simm.s32 @p2 $0x1082  }
0x22: {  	[simem:s7], [sflag:s8] =	dma.local @!p0 [hbm:s6], $0xF7A  }
0x23: {  	s9 =	sor.u32 $0xD0000000, s2;
	s6 =	simm.s32 $0x108;
	_ =	swait.ge @!p0 [sflag:s8], $0x0  }
0x24: {  	s3 =	sadd.s32 $0x88, s3;
	s6 =	simm.s32 @!p1 $0x1082;
	[sflag:s4] =	ssyncset.s32 $0xFFFFF086  }
0x25: {  	[simem:s6], [sflag:s4] =	dma.local [hbm:s3], $0xF7A  }
0x26: {  	[smem:$0x3F97] =	sst s1;
	(tag) =	ssettag s2;
	_ =	strace s9  }
0x27: {  	s1 =	sld [smem:$0x3FA7]  }
0x28: {  	s2 =	sld [smem:$0x3FA8]  }
0x29: {  	s4 =	sld [smem:$0x3FAA]  }
0x2a: {  	p0 =	seq.s32 s5, $0x0;
	s5 =	sld [smem:$0x3FAB]  }
0x2b: {  	s6 =	sld [smem:$0x3FAC]  }
0x2c: {  	s7 =	sld [smem:$0x3FAD]  }
0x2d: {  	s3 =	simm.s32 $0x108;
	s8 =	sld [smem:$0x3FAE]  }
0x2e: {  	s3 =	simm.s32 @!p0 $0x1082;
	s9 =	sld [smem:$0x3FAF]  }
0x2f: {  	lr =	sadd.s32 s0, s3;
	s0 =	sld [smem:$0x3FA6]  }
0x30: {  	s3 =	sld [smem:$0x3FA9]  }
0x31: {  	[smem:$0x3FB2] =	sst s10  }
0x32: {  	s10 =	sld [smem:$0x3FB0];
	_ =	sdelay $0x3  }
0x33: {  	p0 =	seq.s32 s10, $0x1;
	s10 =	sld [smem:$0x3FB2];
	_ =	sdelay $0x3  }
0x34: {  	[smem:$0x3FB2] =	sst s10  }
0x35: {  	s10 =	sld [smem:$0x3FB1];
	_ =	sdelay $0x3  }
0x36: {  	p1 =	seq.s32 s10, $0x1;
	s10 =	sld [smem:$0x3FB2];
	_ =	sdelay $0x3  }
0x37: {  	[smem:$0x3FB2] =	sst s10  }
0x38: {  	s10 =	sld [smem:$0x3FB3]  }
0x39: {  	_ = 	snop;
	(pc) =	sbr.ind lr, $3  }
0x3a: {  	_ = 	snop  }
0x3b: {  	_ = 	snop  }
0x3c: {  	p2 =	seq.s32 s10, $0x1;
	s10 =	sld [smem:$0x3FB2]  }
0x3d: {  	_ =	shalt  }
0x3e: {  	_ =	shalt  }
0x3f: {  	_ =	shalt  }
0x40: {  	_ =	shalt  }
0x41: {  	_ =	shalt  }
0x42: {  	_ =	shalt  }
0x43: {  	_ =	shalt  }
0x44: {  	_ =	shalt  }
0x45: {  	_ =	shalt  }
0x46: {  	_ =	shalt  }
0x47: {  	_ =	shalt  }
0x48: {  	_ =	shalt  }
0x49: {  	_ =	shalt  }
0x4a: {  	_ =	shalt  }
0x4b: {  	_ =	shalt  }
0x4c: {  	_ =	shalt  }
0x4d: {  	_ =	shalt  }
0x4e: {  	_ =	shalt  }
0x4f: {  	_ =	shalt  }
0x50: {  	_ =	shalt  }
0x51: {  	_ =	shalt  }
0x52: {  	_ =	shalt  }
0x53: {  	_ =	shalt  }
0x54: {  	_ =	shalt  }
0x55: {  	_ =	shalt  }
0x56: {  	_ =	shalt  }
0x57: {  	_ =	shalt  }
0x58: {  	_ =	shalt  }
0x59: {  	_ =	shalt  }
0x5a: {  	_ =	shalt  }
0x5b: {  	_ =	shalt  }
0x5c: {  	_ =	shalt  }
0x5d: {  	_ =	shalt  }
0x5e: {  	_ =	shalt  }
0x5f: {  	_ =	shalt  }
0x60: {  	_ =	shalt  }
0x61: {  	_ =	shalt  }
0x62: {  	_ =	shalt  }
0x63: {  	_ =	shalt  }
0x64: {  	_ =	shalt  }
0x65: {  	_ =	shalt  }
0x66: {  	_ =	shalt  }
0x67: {  	_ =	shalt  }
0x68: {  	_ =	shalt  }
0x69: {  	_ =	shalt  }
0x6a: {  	_ =	shalt  }
0x6b: {  	_ =	shalt  }
0x6c: {  	_ =	shalt  }
0x6d: {  	_ =	shalt  }
0x6e: {  	_ =	shalt  }
0x6f: {  	_ =	shalt  }
0x70: {  	_ =	shalt  }
0x71: {  	_ =	shalt  }
0x72: {  	_ =	shalt  }
0x73: {  	_ =	shalt  }
0x74: {  	_ =	shalt  }
0x75: {  	_ =	shalt  }
0x76: {  	_ =	shalt  }
0x77: {  	_ =	shalt  }
0x78: {  	_ =	shalt  }
0x79: {  	_ =	shalt  }
0x7a: {  	_ =	shalt  }
0x7b: {  	_ =	shalt  }
0x7c: {  	_ =	shalt  }
0x7d: {  	_ =	shalt  }
0x7e: {  	_ =	shalt  }
0x7f: {  	_ =	shalt  }
0x80: {  	_ =	shalt  }
0x81: {  	_ =	shalt  }
0x82: {  	_ =	shalt  }
0x83: {  	_ =	shalt  }
0x84: {  	_ =	shalt  }
0x85: {  	_ =	shalt  }
0x86: {  	_ =	shalt  }
0x87: {  	_ =	shalt  }
.Lfunc_end0:
.L_simem_size_0:
called_computation.1_lowered:
.L_overlay_start_0:
0x88: {  	s2 =	sld [smem:$0x3FD9]  }
0x89: {  	s3 =	sld [smem:$0x3FFE];
	_ =	sdelay $0x1  }
0x8a: {  	s1 =	srdreg.scid  }
0x8b: {  	s0 =	sand.u32 $0x1, s1  }
0x8c: {  	s17 =	sshll.u32 s0, $0xA;
	s2 =	sadd.s32 s3, s2  }
0x8d: {  	s2 =	sadd.s32 s2, s17  }
0x8e: {  	[smem:$0x3FBE] =	sst s2  }
0x8f: {  	_ = 	snop  }
0x90: {  	s18 =	sld [smem:$0x3FC7]  }
0x91: {  	s4 =	sld [smem:$0x3FC6];
	(tm) =	ssettm $0x1  }
0x92: {  	s19 =	sld [smem:$0x3FFB];
	_ =	sdelay $0x3  }
0x93: {  	_ =	strace s19  }
0x94: {  	s2 =	sld [smem:$0x3FFC];
	_ =	sdelay $0x3  }
0x95: {  	_ =	strace s2  }
0x96: {  	s2 =	sld [smem:$0x3FFD];
	_ =	sdelay $0x3  }
0x97: {  	_ =	strace s2  }
0x98: {  	_ =	strace $0x8FFFFFFF  }
0x99: {  	s20 =	sld [smem:$0x3FDB];
	_ =	sdelay $0x1  }
0x9a: {  	s5 =	simm.s32 $_scs_section_size  }
0x9b: {  	s6 =	simm.s32 $_size__tile_overlayer_lowered;
	s7 =	simm.s32 $_tile_overlayer_lowered  }
0x9c: {  	s8 =	simm.s32 $0x1BFF;
	s21 =	sshll.u32 s7, $0x1;
	s5 =	sadd.s32 s5, s20  }
0x9d: {  	s22 =	simm.s32 $0x0;
	s6 =	sshll.u32 s6, $0x1;
	s7 =	sadd.s32 s21, s5  }
0x9e: {  	[timem:s22], [sflag:s8] =	dma.local [hbm:s7], s6  }
0x9f: {  	_ =	swait.ge [sflag:s8], s6  }
0xa0: {  	s6 =	ssub.s32 $0x0, s6;
	[sflag:s8] =	ssyncset.done $0x0  }
0xa1: {  	[sflag:s8] =	ssyncadd.s32 s6;
	_ =	sdelay $0x1  }
0xa2: {  	s23 =	simm.s32 $0x1B8B  }
0xa3: {  	_ =	swait.ge [sflag:s23], $0x1  }
0xa4: {  	[sflag:s23] =	ssyncset.done $0x0  }
0xa5: {  	[sflag:s23] =	ssyncadd.s32 $0xFFFFFFFF  }
0xa6: {  	s6 =	sld [smem:$0x0]  }
0xa7: {  	s7 =	sand.u32 $0xFFFFFFFE, s1  }
0xa8: {  	p0 =	sne.s32 s1, s7  }
0xa9: {  	s7 =	sshll.u32 @p0 s7, $0xE  }
0xaa: {  	s7 =	sadd.s32 @p0 $0x11B8D, s7;
	s8 =	sshll.u32 @p0 s6, $0x11  }
0xab: {  	s7 =	sor.u32 @p0 s8, s7  }
0xac: {  	[sflag:s7] =	ssyncadd.remote.s32 @p0 $0x1;
	_ =	sdelay $0x1  }
0xad: {  	s7 =	simm.s32 @p0 $0x1B8D  }
0xae: {  	_ =	swait.eq @p0 [sflag:s7], $0x1  }
0xaf: {  	[sflag:s7] =	ssyncadd.s32 @p0 $0xFFFFFFFF  }
0xb0: {  	s8 =	sshll.u32 @!p0 s1, $0xE  }
0xb1: {  	s8 =	sor.u32 @!p0 $0x4000, s8;
	s7 =	simm.s32 @!p0 $0x1B8D  }
0xb2: {  	s6 =	sshll.u32 @!p0 s6, $0x11;
	s8 =	sadd.s32 @!p0 $0x11B8D, s8;
	_ =	swait.eq @!p0 [sflag:s7], $0x1  }
0xb3: {  	s6 =	sor.u32 @!p0 s6, s8;
	[sflag:s7] =	ssyncadd.s32 @!p0 $0xFFFFFFFF  }
0xb4: {  	s25 =	simm.s32 $0x1B8E;
	s24 =	sld [smem:$0x3FFE];
	[sflag:s6] =	ssyncadd.remote.s32 @!p0 $0x1  }
0xb5: {  	s26 =	simm.s32 $execute0_lowered;
	[smem:$0x3FD2] =	sst s25  }
0xb6: {  	s7 =	sshll.u32 s26, $0x1;
	_ =	strace $0x80000049;
	[dreg:$0x1] =	wrdreg $0xFFFFFFFF  }
0xb7: {  	s28 =	simm.s32 $_size_execute0_lowered;
	s5 =	sadd.s32 s5, s7;
	[dreg:$0x0] =	wrdreg $0x0  }
0xb8: {  	s7 =	sshll.u32 s28, $0x1;
	[dreg:$0x2] =	wrdreg s5  }
0xb9: {  	[dreg:$0x3] =	wrdreg s7  }
0xba: {  	[dreg:$0x4] =	wrdreg $0xC0  }
0xbb: {  	_ =	task [dreg:s22], $0x5FFFF  }
0xbc: {  	[dreg:$0x1] =	wrdreg $0xFFFFFFFF  }
0xbd: {  	[dreg:$0x0] =	wrdreg $0x60  }
0xbe: {  	[dreg:$0x2] =	wrdreg s24  }
0xbf: {  	[dreg:$0x3] =	wrdreg s18  }
0xc0: {  	[dreg:$0x4] =	wrdreg s4  }
0xc1: {  	[dreg:$0x5] =	wrdreg $0xA  }
0xc2: {  	_ =	task.clear_ibuf [dreg:s22], $0x6FFFF;
	_ =	strace $0x90000049  }
0xc3: {  	s29 =	simm.s32 $0xA;
	_ =	strace $0x8000004B  }
0xc4: {  	_ =	swait.ge [sflag:s29], $0x1  }
0xc5: {  	[sflag:s29] =	ssyncadd.s32 $0xFFFFFFFF  }
0xc6: {  	_ =	strace $0x9000004B  }
0xc7: {  	_ =	sfence  }
0xc8: {  	s30 =	sld [smem:$0x0];
	_ =	sdelay $0x2  }
0xc9: {  	s31 =	sshll.u32 s1, $0xD;
	s1 =	sshrl.u32 s1, $0x2  }
0xca: {  	s4 =	sand.u32 $0x4000, s31;
	s1 =	sadd.s32 s1, s30  }
0xcb: {  	s0 =	sor.u32 s4, s0;
	s1 =	sshll.u32 s1, $0x11  }
0xcc: {  	s0 =	sor.u32 s1, s0  }
0xcd: {  	s0 =	sadd.s32 $0x8F2B, s0  }
0xce: {  	[sflag:s0] =	ssyncadd.remote.s32 $0x1  }
0xcf: {  	_ =	sfence.sel $0xFFFF  }
0xd0: {  	[dreg:$0x0] =	wrdreg $0xFFFFFFFF;
	(pc) =	sbr.abs _section_cstart, $3  }
0xd1: {  	[dreg:$0x1] =	wrdreg $0xFFFFFFFF  }
0xd2: {  	_ =	task.clear_ibuf [dreg:s22], $0x2FFFF;
	_ =	strace $0x9FFFFFFF  }
0xd3: {  	(tm) =	ssettm $0x7FFFFFFF  }
tec
execute0_lowered:
.L_overlay_start_1:
0x0: {  	(tag) =	ssettag $0x1  }
0x1: {  	s1 =	srdreg.scid  }
0x2: {  	s0 =	stileid.u32;
	s14 =	sand.u32 $0x1, s1  }
0x3: {  	s12 =	rddreg [dreg:$0x0];
	s31 =	sshll.u32 s0, $0x9;
	s4 =	sshll.u32 s14, $0x8  }
0x4: {  	s2 =	rddreg [dreg:$0x1];
	s13 =	sor.u32 s4, s31  }
0x5: {  	s3 =	rddreg [dreg:$0x2];
	s4 =	simm.s32 $0x0;
	s5 =	sshrl.u32 s13, $0x3  }
0x6: {  	s6 =	simm.s32 $0x5;
	[smem:$0x7FF] =	sst s4;
	s7 =	sadd.s32 s5, s12  }
0x7: {  	s1 =	rddreg [dreg:$0x3];
	_ =	strace $0x8000004A;
	s5 =	sadd.s32 $0x2E00, s7  }
0x8: {  	[tilespmem:s4], [sflag:$0x5] =	stream.linear.gather [hbm4b:s5+s4], $0x100, $0x38;
	[tilespmem:$0x10200] =	vst v63  }
0x9: {  	_ =	swait.ge [sflag:s6], $0x100  }
0xa: {  	[sflag:s6] =	ssyncset.done $0x0  }
0xb: {  	s8 =	simm.s32 $0x100;
	s7 =	sadd.s32 $0x2A00, s7;
	[sflag:s6] =	ssyncadd.s32 $0xFFFFFF00  }
0xc: {  	[tilespmem:s8], [sflag:$0x5] =	stream.linear.gather [hbm4b:s7+s4], $0x100, $0x38;
	[tilespmem:$0x10200] =	vst v63  }
0xd: {  	_ =	swait.ge [sflag:s6], $0x100  }
0xe: {  	[sflag:s6] =	ssyncset.done $0x0  }
0xf: {  	s9 =	simm.s32 $0x200;
	[sflag:s6] =	ssyncadd.s32 $0xFFFFFF00  }
0x10: {  	[tilespmem:s9], [sflag:$0x1] =	stream.indirect.gather [hbm4b:s2+s8], $0x80, s4, s8, $0xb8;
	[tilespmem:$0x10200] =	vst v63  }
0x11: {  	s10 =	simm.s32 $0x8200;
	s11 =	simm.s32 $0x1  }
0x12: {  	[tilespmem:s10], [sflag:$0x2] =	stream.indirect.gather [hbm4b:s3+s8], $0x80, s8, s8, $0xb8;
	[tilespmem:$0x10200] =	vst v63  }
0x13: {  	s16 =	ssub.s32 $0x2, s14;
	s13 =	sshll.u32 s13, $0x4;
	_ =	swait.ge [sflag:s11], $0x8000  }
0x14: {  	s17 =	sshrl.u32 s16, $0x1;
	s15 =	sadd.s32 s13, s12;
	[sflag:s11] =	ssyncset.done $0x0  }
0x15: {  	s13 =	simm.s32 $0x2;
	s12 =	sadd.s32 $0x43200, s15;
	[sflag:s11] =	ssyncadd.s32 $0xFFFF8000  }
0x16: {  	[hbm4b:s12+s4] =	stream.linear.scatter [tilespmem:s9], [sflag:$0x3], $0x8000, $0x38;
	[tilespmem:$0x10200] =	vst v63  }
0x17: {  	s16 =	ssub.s32 s16, s17;
	_ =	swait.ge [sflag:s13], $0x8000  }
0x18: {  	s17 =	smax.u32 s16, $0x1;
	s14 =	sadd.s32 $0x63200, s15;
	[sflag:s13] =	ssyncset.done $0x0  }
0x19: {  	s15 =	simm.s32 $0x3;
	p0 =	sne.s32 s17, $0x1;
	[sflag:s13] =	ssyncadd.s32 $0xFFFF8000  }
0x1a: {  	[hbm4b:s14+s4] =	stream.linear.scatter [tilespmem:s10], [sflag:$0x4], $0x8000, $0x38;
	[tilespmem:$0x10200] =	vst v63  }
.Ltmp0:
0x1b: {  	_ =	swait.ge [sflag:s15], $0x8000;
	(pc) =	sbr.rel @!p0 .LBB2_2-.Ltmp0, $4  }
0x1c: {  	[sflag:s15] =	ssyncset.done $0x0  }
0x1d: {  	s16 =	simm.s32 $0x4;
	[sflag:s15] =	ssyncadd.s32 $0xFFFF8000  }
0x1e: {  	_ =	swait.ge [sflag:s16], $0x8000  }
0x1f: {  	s17 =	sadd.s32 $0xFFFFFFFF, s17;
	[sflag:s16] =	ssyncset.done $0x0  }
.LBB2_1:
0x20: {  	p0 =	sne.s32 s17, $0x1;
	s17 =	sadd.s32 $0xFFFFFFFF, s17;
	[sflag:s16] =	ssyncadd.s32 $0xFFFF8000  }
0x21: {  	[tilespmem:s4], [sflag:$0x5] =	stream.linear.gather [hbm4b:s5+s4], $0x100, $0x38;
	[tilespmem:$0x10200] =	vst v63  }
0x22: {  	_ =	swait.ge [sflag:s6], $0x100  }
0x23: {  	[sflag:s6] =	ssyncset.done $0x0  }
0x24: {  	[sflag:s6] =	ssyncadd.s32 $0xFFFFFF00  }
0x25: {  	[tilespmem:s8], [sflag:$0x5] =	stream.linear.gather [hbm4b:s7+s4], $0x100, $0x38;
	[tilespmem:$0x10200] =	vst v63  }
0x26: {  	_ =	swait.ge [sflag:s6], $0x100  }
0x27: {  	[sflag:s6] =	ssyncset.done $0x0  }
0x28: {  	[sflag:s6] =	ssyncadd.s32 $0xFFFFFF00  }
0x29: {  	[tilespmem:s9], [sflag:$0x1] =	stream.indirect.gather [hbm4b:s2+s8], $0x80, s4, s8, $0xb8;
	[tilespmem:$0x10200] =	vst v63  }
0x2a: {  	_ = 	snop  }
0x2b: {  	[tilespmem:s10], [sflag:$0x2] =	stream.indirect.gather [hbm4b:s3+s8], $0x80, s8, s8, $0xb8;
	[tilespmem:$0x10200] =	vst v63  }
0x2c: {  	_ =	swait.ge [sflag:s11], $0x8000  }
0x2d: {  	[sflag:s11] =	ssyncset.done $0x0  }
0x2e: {  	[sflag:s11] =	ssyncadd.s32 $0xFFFF8000  }
0x2f: {  	[hbm4b:s12+s4] =	stream.linear.scatter [tilespmem:s9], [sflag:$0x3], $0x8000, $0x38;
	[tilespmem:$0x10200] =	vst v63  }
0x30: {  	_ =	swait.ge [sflag:s13], $0x8000  }
0x31: {  	[sflag:s13] =	ssyncset.done $0x0  }
0x32: {  	[sflag:s13] =	ssyncadd.s32 $0xFFFF8000  }
0x33: {  	[hbm4b:s14+s4] =	stream.linear.scatter [tilespmem:s10], [sflag:$0x4], $0x8000, $0x38;
	[tilespmem:$0x10200] =	vst v63  }
.Ltmp1:
0x34: {  	_ =	swait.ge [sflag:s15], $0x8000;
	(pc) =	sbr.rel @p0 .LBB2_1-.Ltmp1, $4  }
0x35: {  	[sflag:s15] =	ssyncset.done $0x0  }
0x36: {  	[sflag:s15] =	ssyncadd.s32 $0xFFFF8000  }
0x37: {  	_ =	swait.ge [sflag:s16], $0x8000  }
0x38: {  	[sflag:s16] =	ssyncset.done $0x0  }
.LBB2_2:
0x39: {  	[sflag:s16] =	ssyncadd.s32 $0xFFFF8000  }
0x3a: {  	_ =	sfence.sel $0x180000  }
0x3b: {  	[bflag:$0x0] =	sbarrier.arrive $0xFFFF  }
0x3c: {  	p0 =	sne.s32 s0, $0x0;
	_ =	strace $0x9000004A  }
0x3d: {  	s0 =	sadd.s32 @!p0 $0x100000, s1;
	[bflag:$0x2] =	sbarrier.arrive $0xFFFF  }
0x3e: {  	[sflag:s0] =	ssyncadd.tile.s32 @!p0 $0x1;
	_ =	shalt  }
.Lfunc_end2:
_tile_overlayer_lowered:
.L_overlay_start_2:
0x3f: {  	(tag) =	ssettag $0x2  }
0x40: {  	s0 =	rddreg [dreg:$0x0];
	s2 =	stileid.u32  }
0x41: {  	s1 =	rddreg [dreg:$0x1];
	p0 =	sne.s32 s2, $0x0  }
0x42: {  	s3 =	rddreg [dreg:$0x2];
	[bflag:$0x3] =	sbarrier.arrive $0xFFFF;
	s2 =	simm.s32 @!p0 $0x1C05  }
0x43: {  	[timem:s3], [sflag:s2] =	dma.local @!p0 [hbm:s0], s1  }
0x44: {  	s0 =	simm.s32 @!p0 $0x5  }
0x45: {  	_ =	swait.ge @!p0 [sflag:s0], s1  }
0x46: {  	s1 =	ssub.s32 @!p0 $0x0, s1;
	[sflag:s0] =	ssyncset.done @!p0 $0x0  }
0x47: {  	[sflag:s0] =	ssyncadd.s32 @!p0 s1  }
0x48: {  	[bflag:$0x3] =	sbarrier.arrive $0xFFFF  }
0x49: {  	_ =	shalt  }

</sc_bundles>
